<compile_context>
chip_gen: v7x
topology: tpu7x:2x2x1
jax: 0.10.2.dev20260603
libtpu: 0.0.44.dev20260713+nightly
codegen_flags: <defaults>
</compile_context>

<pallas_src>
import functools

import jax
import jax.numpy as jnp
from jax import lax
from jax.experimental import pallas as pl
from jax.experimental.pallas import tpu as pltpu
from jax.experimental.pallas import tpu_sc as plsc

_NC = 2
_NS = 16
_NW = _NC * _NS
_CHUNK = 32768
_NBUF = 3

_SC_UNITS = 20
_TOTAL_UNITS = 96

_TC_ROWS = 4096


def _sc_copy_body(in_hbm, out_hbm, buf0, buf1, buf2, in_sems, out_sems):
    bufs = (buf0, buf1, buf2)
    n = in_hbm.shape[0]
    per = n // _NW
    niter = per // _CHUNK
    groups = niter // _NBUF
    wid = lax.axis_index("s") * _NC + lax.axis_index("c")
    base = wid * per

    def in_copy(i, b):
        return pltpu.make_async_copy(
            in_hbm.at[pl.ds(base + i * _CHUNK, _CHUNK)], bufs[b], in_sems.at[b]
        )

    def out_copy(i, b):
        return pltpu.make_async_copy(
            bufs[b], out_hbm.at[pl.ds(base + i * _CHUNK, _CHUNK)], out_sems.at[b]
        )

    for b in range(_NBUF):
        in_copy(b, b).start()

    def group(g, carry):
        for b in range(_NBUF):
            i = g * _NBUF + b
            in_copy(i, b).wait()
            out_copy(i, b).start()
            out_copy(i, b).wait()
            in_copy(i + _NBUF, b).start()
        return carry

    lax.fori_loop(0, groups - 1, group, 0)

    for b in range(_NBUF):
        i = (groups - 1) * _NBUF + b
        in_copy(i, b).wait()
        out_copy(i, b).start()
    for b in range(_NBUF):
        i = (groups - 1) * _NBUF + b
        out_copy(i, b).wait()


def _make_sc_copy(n):
    mesh = plsc.VectorSubcoreMesh(core_axis_name="c", subcore_axis_name="s")
    return pl.kernel(
        _sc_copy_body,
        out_type=jax.ShapeDtypeStruct((n,), jnp.float32),
        mesh=mesh,
        scratch_types=[
            pltpu.VMEM((_CHUNK,), jnp.float32),
            pltpu.VMEM((_CHUNK,), jnp.float32),
            pltpu.VMEM((_CHUNK,), jnp.float32),
            pltpu.SemaphoreType.DMA((_NBUF,)),
            pltpu.SemaphoreType.DMA((_NBUF,)),
        ],
    )


def _tc_copy_kernel(in_ref, out_ref):
    out_ref[...] = in_ref[...]


def _tc_copy(xf):
    n = xf.shape[0]
    return pl.pallas_call(
        _tc_copy_kernel,
        grid=(n // _TC_ROWS,),
        in_specs=[pl.BlockSpec((_TC_ROWS, 512), lambda i: (i, 0))],
        out_specs=pl.BlockSpec((_TC_ROWS, 512), lambda i: (i, 0)),
        out_shape=jax.ShapeDtypeStruct((n, 512), xf.dtype),
        compiler_params=pltpu.CompilerParams(
            dimension_semantics=("parallel",),
        ),
    )(xf)


def kernel(x):
    n = x.size
    n_sc = n // _TOTAL_UNITS * _SC_UNITS
    xf = x.reshape(n // 512, 512)
    y_sc = _make_sc_copy(n_sc)(xf[: n_sc // 512].reshape(n_sc))
    y_tc = _tc_copy(xf[n_sc // 512 :])
    out = jnp.concatenate([y_sc.reshape(n_sc // 512, 512), y_tc], axis=0)
    return out.reshape(x.shape)

# --- scband reference (transcript-rebuilt; emitter-appended) ---
"""Pipeline reference for scband-random-mask-50311246905670 (READ-ONLY COPY).

The authoritative reference and input builder live on the scoring server;
editing this copy changes nothing except your own understanding.
"""

import jax, jax.numpy as jnp
import numpy as np


def setup_inputs(seed: int = 0) -> dict:
    key = jax.random.key(seed)
    x = jax.random.normal(key, (4, 96, 512, 512), dtype=jnp.float32)
    return {"x": x}


def reference(x):
    # RandomMask with p=0.0, inplace=False:
    #   ret = torch.clone(x); if p == 0.0: return ret
    # i.e. forward is a pure copy of the input (no windows are masked).
    ret = jnp.copy(x)
    return ret

if __name__ == "__main__":
    import jax
    _d = setup_inputs()
    print(jax.jit(kernel)(*tuple(_d.values())))

</pallas_src>

<mosaic_0001>
#map = affine_map<(d0, d1) -> (0)>
module attributes {stable_mosaic.version = 14 : i64} {
  func.func @_sc_copy_body(%arg0: i32, %arg1: i32, %arg2: memref<20971520xf32, #tpu.memory_space<hbm>>, %arg3: memref<20971520xf32, #tpu.memory_space<hbm>>, %arg4: memref<32768xf32, #tpu.memory_space<vmem>>, %arg5: memref<32768xf32, #tpu.memory_space<vmem>>, %arg6: memref<32768xf32, #tpu.memory_space<vmem>>, %arg7: memref<3x!tpu.dma_semaphore, #tpu.memory_space<semaphore_mem>>, %arg8: memref<3x!tpu.dma_semaphore, #tpu.memory_space<semaphore_mem>>) attributes {dimension_semantics = [#tpu.dimension_semantics<core_parallel>, #tpu.dimension_semantics<subcore_parallel>], iteration_bounds = array<i64: 2, 16>, scalar_prefetch = 0 : i64, scratch_operands = 5 : i64, tpu.core_type = #tpu.core_type<sc_vector_subcore>, window_params = [{transform_indices = #map}, {transform_indices = #map}]} {
    %mul3A = arith.constant 2 : i32
    %mul3A_0 = arith.muli %arg1, %mul3A : i32
    %add3A = arith.addi %mul3A_0, %arg0 : i32
    %mul3A_1 = arith.constant 655360 : i32
    %mul3A_2 = arith.muli %add3A, %mul3A_1 : i32
    %add3A_3 = arith.constant 0 : i32
    %add3A_4 = arith.addi %mul3A_2, %add3A_3 : i32
    %dma_start3A = arith.constant 0 : i32
    %dma_start3A_5 = tpu.memref_slice %arg2[%add3A_4] : memref<20971520xf32, #tpu.memory_space<hbm>> -> memref<32768xf32, #tpu.memory_space<hbm>>
    %dma_start3A_6 = tpu.memref_slice %arg7[%dma_start3A] : memref<3x!tpu.dma_semaphore, #tpu.memory_space<semaphore_mem>> -> memref<1x!tpu.dma_semaphore, #tpu.memory_space<semaphore_mem>>
    %dma_start3A_7 = tpu.memref_squeeze %dma_start3A_6 : memref<1x!tpu.dma_semaphore, #tpu.memory_space<semaphore_mem>> -> memref<!tpu.dma_semaphore, #tpu.memory_space<semaphore_mem>>
    %dma_start3A_8 = tpu.memref_slice %arg2[%add3A_4] : memref<20971520xf32, #tpu.memory_space<hbm>> -> memref<32768xf32, #tpu.memory_space<hbm>>
    tpu.enqueue_dma source(%dma_start3A_8 : memref<32768xf32, #tpu.memory_space<hbm>>) target(%arg4 : memref<32768xf32, #tpu.memory_space<vmem>>) target_semaphore(%dma_start3A_7 : memref<!tpu.dma_semaphore, #tpu.memory_space<semaphore_mem>>)
    %add3A_9 = arith.constant 32768 : i32
    %add3A_10 = arith.addi %mul3A_2, %add3A_9 : i32
    %dma_start3A_11 = arith.constant 1 : i32
    %dma_start3A_12 = tpu.memref_slice %arg2[%add3A_10] : memref<20971520xf32, #tpu.memory_space<hbm>> -> memref<32768xf32, #tpu.memory_space<hbm>>
    %dma_start3A_13 = tpu.memref_slice %arg7[%dma_start3A_11] : memref<3x!tpu.dma_semaphore, #tpu.memory_space<semaphore_mem>> -> memref<1x!tpu.dma_semaphore, #tpu.memory_space<semaphore_mem>>
    %dma_start3A_14 = tpu.memref_squeeze %dma_start3A_13 : memref<1x!tpu.dma_semaphore, #tpu.memory_space<semaphore_mem>> -> memref<!tpu.dma_semaphore, #tpu.memory_space<semaphore_mem>>
    %dma_start3A_15 = tpu.memref_slice %arg2[%add3A_10] : memref<20971520xf32, #tpu.memory_space<hbm>> -> memref<32768xf32, #tpu.memory_space<hbm>>
    tpu.enqueue_dma source(%dma_start3A_15 : memref<32768xf32, #tpu.memory_space<hbm>>) target(%arg5 : memref<32768xf32, #tpu.memory_space<vmem>>) target_semaphore(%dma_start3A_14 : memref<!tpu.dma_semaphore, #tpu.memory_space<semaphore_mem>>)
    %add3A_16 = arith.constant 65536 : i32
    %add3A_17 = arith.addi %mul3A_2, %add3A_16 : i32
    %dma_start3A_18 = arith.constant 2 : i32
    %dma_start3A_19 = tpu.memref_slice %arg2[%add3A_17] : memref<20971520xf32, #tpu.memory_space<hbm>> -> memref<32768xf32, #tpu.memory_space<hbm>>
    %dma_start3A_20 = tpu.memref_slice %arg7[%dma_start3A_18] : memref<3x!tpu.dma_semaphore, #tpu.memory_space<semaphore_mem>> -> memref<1x!tpu.dma_semaphore, #tpu.memory_space<semaphore_mem>>
    %dma_start3A_21 = tpu.memref_squeeze %dma_start3A_20 : memref<1x!tpu.dma_semaphore, #tpu.memory_space<semaphore_mem>> -> memref<!tpu.dma_semaphore, #tpu.memory_space<semaphore_mem>>
    %dma_start3A_22 = tpu.memref_slice %arg2[%add3A_17] : memref<20971520xf32, #tpu.memory_space<hbm>> -> memref<32768xf32, #tpu.memory_space<hbm>>
    tpu.enqueue_dma source(%dma_start3A_22 : memref<32768xf32, #tpu.memory_space<hbm>>) target(%arg6 : memref<32768xf32, #tpu.memory_space<vmem>>) target_semaphore(%dma_start3A_21 : memref<!tpu.dma_semaphore, #tpu.memory_space<semaphore_mem>>)
    %scan3A = arith.constant 0 : i32
    %scan3A_23 = arith.constant 0 : i32
    %scan3A_24 = arith.constant 5 : i32
    %scan3A_25 = arith.addi %scan3A_23, %scan3A_24 : i32
    %scan3A_26 = arith.constant 1 : i32
    scf.for %scan3A_90 = %scan3A_23 to %scan3A_25 step %scan3A_26  : i32 {
      %mul3A_91 = arith.constant 3 : i32
      %mul3A_92 = arith.muli %scan3A_90, %mul3A_91 : i32
      %add3A_93 = arith.constant 0 : i32
      %add3A_94 = arith.addi %mul3A_92, %add3A_93 : i32
      %mul3A_95 = arith.constant 32768 : i32
      %mul3A_96 = arith.muli %add3A_94, %mul3A_95 : i32
      %add3A_97 = arith.addi %mul3A_2, %mul3A_96 : i32
      %dma_wait3A_98 = arith.constant 0 : i32
      %dma_wait3A_99 = tpu.memref_slice %arg2[%add3A_97] : memref<20971520xf32, #tpu.memory_space<hbm>> -> memref<32768xf32, #tpu.memory_space<hbm>>
      %dma_wait3A_100 = tpu.memref_slice %arg7[%dma_wait3A_98] : memref<3x!tpu.dma_semaphore, #tpu.memory_space<semaphore_mem>> -> memref<1x!tpu.dma_semaphore, #tpu.memory_space<semaphore_mem>>
      %dma_wait3A_101 = tpu.memref_squeeze %dma_wait3A_100 : memref<1x!tpu.dma_semaphore, #tpu.memory_space<semaphore_mem>> -> memref<!tpu.dma_semaphore, #tpu.memory_space<semaphore_mem>>
      %dma_wait3A_102 = tpu.memref_slice %arg2[%add3A_97] : memref<20971520xf32, #tpu.memory_space<hbm>> -> memref<32768xf32, #tpu.memory_space<hbm>>
      tpu.wait_dma2 semaphore(%dma_wait3A_101 : memref<!tpu.dma_semaphore, #tpu.memory_space<semaphore_mem>>) src(%dma_wait3A_102 : memref<32768xf32, #tpu.memory_space<hbm>>) dst(%arg4 : memref<32768xf32, #tpu.memory_space<vmem>>)
      %mul3A_103 = arith.constant 32768 : i32
      %mul3A_104 = arith.muli %add3A_94, %mul3A_103 : i32
      %add3A_105 = arith.addi %mul3A_2, %mul3A_104 : i32
      %dma_start3A_106 = arith.constant 0 : i32
      %dma_start3A_107 = tpu.memref_slice %arg3[%add3A_105] : memref<20971520xf32, #tpu.memory_space<hbm>> -> memref<32768xf32, #tpu.memory_space<hbm>>
      %dma_start3A_108 = tpu.memref_slice %arg8[%dma_start3A_106] : memref<3x!tpu.dma_semaphore, #tpu.memory_space<semaphore_mem>> -> memref<1x!tpu.dma_semaphore, #tpu.memory_space<semaphore_mem>>
      %dma_start3A_109 = tpu.memref_squeeze %dma_start3A_108 : memref<1x!tpu.dma_semaphore, #tpu.memory_space<semaphore_mem>> -> memref<!tpu.dma_semaphore, #tpu.memory_space<semaphore_mem>>
      %dma_start3A_110 = tpu.memref_slice %arg3[%add3A_105] : memref<20971520xf32, #tpu.memory_space<hbm>> -> memref<32768xf32, #tpu.memory_space<hbm>>
      tpu.enqueue_dma source(%arg4 : memref<32768xf32, #tpu.memory_space<vmem>>) target(%dma_start3A_110 : memref<32768xf32, #tpu.memory_space<hbm>>) target_semaphore(%dma_start3A_109 : memref<!tpu.dma_semaphore, #tpu.memory_space<semaphore_mem>>)
      %mul3A_111 = arith.constant 32768 : i32
      %mul3A_112 = arith.muli %add3A_94, %mul3A_111 : i32
      %add3A_113 = arith.addi %mul3A_2, %mul3A_112 : i32
      %dma_wait3A_114 = arith.constant 0 : i32
      %dma_wait3A_115 = tpu.memref_slice %arg3[%add3A_113] : memref<20971520xf32, #tpu.memory_space<hbm>> -> memref<32768xf32, #tpu.memory_space<hbm>>
      %dma_wait3A_116 = tpu.memref_slice %arg8[%dma_wait3A_114] : memref<3x!tpu.dma_semaphore, #tpu.memory_space<semaphore_mem>> -> memref<1x!tpu.dma_semaphore, #tpu.memory_space<semaphore_mem>>
      %dma_wait3A_117 = tpu.memref_squeeze %dma_wait3A_116 : memref<1x!tpu.dma_semaphore, #tpu.memory_space<semaphore_mem>> -> memref<!tpu.dma_semaphore, #tpu.memory_space<semaphore_mem>>
      %dma_wait3A_118 = tpu.memref_slice %arg3[%add3A_113] : memref<20971520xf32, #tpu.memory_space<hbm>> -> memref<32768xf32, #tpu.memory_space<hbm>>
      tpu.wait_dma2 semaphore(%dma_wait3A_117 : memref<!tpu.dma_semaphore, #tpu.memory_space<semaphore_mem>>) src(%arg4 : memref<32768xf32, #tpu.memory_space<vmem>>) dst(%dma_wait3A_118 : memref<32768xf32, #tpu.memory_space<hbm>>)
      %add3A_119 = arith.constant 3 : i32
      %add3A_120 = arith.addi %add3A_94, %add3A_119 : i32
      %mul3A_121 = arith.constant 32768 : i32
      %mul3A_122 = arith.muli %add3A_120, %mul3A_121 : i32
      %add3A_123 = arith.addi %mul3A_2, %mul3A_122 : i32
      %dma_start3A_124 = arith.constant 0 : i32
      %dma_start3A_125 = tpu.memref_slice %arg2[%add3A_123] : memref<20971520xf32, #tpu.memory_space<hbm>> -> memref<32768xf32, #tpu.memory_space<hbm>>
      %dma_start3A_126 = tpu.memref_slice %arg7[%dma_start3A_124] : memref<3x!tpu.dma_semaphore, #tpu.memory_space<semaphore_mem>> -> memref<1x!tpu.dma_semaphore, #tpu.memory_space<semaphore_mem>>
      %dma_start3A_127 = tpu.memref_squeeze %dma_start3A_126 : memref<1x!tpu.dma_semaphore, #tpu.memory_space<semaphore_mem>> -> memref<!tpu.dma_semaphore, #tpu.memory_space<semaphore_mem>>
      %dma_start3A_128 = tpu.memref_slice %arg2[%add3A_123] : memref<20971520xf32, #tpu.memory_space<hbm>> -> memref<32768xf32, #tpu.memory_space<hbm>>
      tpu.enqueue_dma source(%dma_start3A_128 : memref<32768xf32, #tpu.memory_space<hbm>>) target(%arg4 : memref<32768xf32, #tpu.memory_space<vmem>>) target_semaphore(%dma_start3A_127 : memref<!tpu.dma_semaphore, #tpu.memory_space<semaphore_mem>>)
      %mul3A_129 = arith.constant 3 : i32
      %mul3A_130 = arith.muli %scan3A_90, %mul3A_129 : i32
      %add3A_131 = arith.constant 1 : i32
      %add3A_132 = arith.addi %mul3A_130, %add3A_131 : i32
      %mul3A_133 = arith.constant 32768 : i32
      %mul3A_134 = arith.muli %add3A_132, %mul3A_133 : i32
      %add3A_135 = arith.addi %mul3A_2, %mul3A_134 : i32
      %dma_wait3A_136 = arith.constant 1 : i32
      %dma_wait3A_137 = tpu.memref_slice %arg2[%add3A_135] : memref<20971520xf32, #tpu.memory_space<hbm>> -> memref<32768xf32, #tpu.memory_space<hbm>>
      %dma_wait3A_138 = tpu.memref_slice %arg7[%dma_wait3A_136] : memref<3x!tpu.dma_semaphore, #tpu.memory_space<semaphore_mem>> -> memref<1x!tpu.dma_semaphore, #tpu.memory_space<semaphore_mem>>
      %dma_wait3A_139 = tpu.memref_squeeze %dma_wait3A_138 : memref<1x!tpu.dma_semaphore, #tpu.memory_space<semaphore_mem>> -> memref<!tpu.dma_semaphore, #tpu.memory_space<semaphore_mem>>
      %dma_wait3A_140 = tpu.memref_slice %arg2[%add3A_135] : memref<20971520xf32, #tpu.memory_space<hbm>> -> memref<32768xf32, #tpu.memory_space<hbm>>
      tpu.wait_dma2 semaphore(%dma_wait3A_139 : memref<!tpu.dma_semaphore, #tpu.memory_space<semaphore_mem>>) src(%dma_wait3A_140 : memref<32768xf32, #tpu.memory_space<hbm>>) dst(%arg5 : memref<32768xf32, #tpu.memory_space<vmem>>)
      %mul3A_141 = arith.constant 32768 : i32
      %mul3A_142 = arith.muli %add3A_132, %mul3A_141 : i32
      %add3A_143 = arith.addi %mul3A_2, %mul3A_142 : i32
      %dma_start3A_144 = arith.constant 1 : i32
      %dma_start3A_145 = tpu.memref_slice %arg3[%add3A_143] : memref<20971520xf32, #tpu.memory_space<hbm>> -> memref<32768xf32, #tpu.memory_space<hbm>>
      %dma_start3A_146 = tpu.memref_slice %arg8[%dma_start3A_144] : memref<3x!tpu.dma_semaphore, #tpu.memory_space<semaphore_mem>> -> memref<1x!tpu.dma_semaphore, #tpu.memory_space<semaphore_mem>>
      %dma_start3A_147 = tpu.memref_squeeze %dma_start3A_146 : memref<1x!tpu.dma_semaphore, #tpu.memory_space<semaphore_mem>> -> memref<!tpu.dma_semaphore, #tpu.memory_space<semaphore_mem>>
      %dma_start3A_148 = tpu.memref_slice %arg3[%add3A_143] : memref<20971520xf32, #tpu.memory_space<hbm>> -> memref<32768xf32, #tpu.memory_space<hbm>>
      tpu.enqueue_dma source(%arg5 : memref<32768xf32, #tpu.memory_space<vmem>>) target(%dma_start3A_148 : memref<32768xf32, #tpu.memory_space<hbm>>) target_semaphore(%dma_start3A_147 : memref<!tpu.dma_semaphore, #tpu.memory_space<semaphore_mem>>)
      %mul3A_149 = arith.constant 32768 : i32
      %mul3A_150 = arith.muli %add3A_132, %mul3A_149 : i32
      %add3A_151 = arith.addi %mul3A_2, %mul3A_150 : i32
      %dma_wait3A_152 = arith.constant 1 : i32
      %dma_wait3A_153 = tpu.memref_slice %arg3[%add3A_151] : memref<20971520xf32, #tpu.memory_space<hbm>> -> memref<32768xf32, #tpu.memory_space<hbm>>
      %dma_wait3A_154 = tpu.memref_slice %arg8[%dma_wait3A_152] : memref<3x!tpu.dma_semaphore, #tpu.memory_space<semaphore_mem>> -> memref<1x!tpu.dma_semaphore, #tpu.memory_space<semaphore_mem>>
      %dma_wait3A_155 = tpu.memref_squeeze %dma_wait3A_154 : memref<1x!tpu.dma_semaphore, #tpu.memory_space<semaphore_mem>> -> memref<!tpu.dma_semaphore, #tpu.memory_space<semaphore_mem>>
      %dma_wait3A_156 = tpu.memref_slice %arg3[%add3A_151] : memref<20971520xf32, #tpu.memory_space<hbm>> -> memref<32768xf32, #tpu.memory_space<hbm>>
      tpu.wait_dma2 semaphore(%dma_wait3A_155 : memref<!tpu.dma_semaphore, #tpu.memory_space<semaphore_mem>>) src(%arg5 : memref<32768xf32, #tpu.memory_space<vmem>>) dst(%dma_wait3A_156 : memref<32768xf32, #tpu.memory_space<hbm>>)
      %add3A_157 = arith.constant 3 : i32
      %add3A_158 = arith.addi %add3A_132, %add3A_157 : i32
      %mul3A_159 = arith.constant 32768 : i32
      %mul3A_160 = arith.muli %add3A_158, %mul3A_159 : i32
      %add3A_161 = arith.addi %mul3A_2, %mul3A_160 : i32
      %dma_start3A_162 = arith.constant 1 : i32
      %dma_start3A_163 = tpu.memref_slice %arg2[%add3A_161] : memref<20971520xf32, #tpu.memory_space<hbm>> -> memref<32768xf32, #tpu.memory_space<hbm>>
      %dma_start3A_164 = tpu.memref_slice %arg7[%dma_start3A_162] : memref<3x!tpu.dma_semaphore, #tpu.memory_space<semaphore_mem>> -> memref<1x!tpu.dma_semaphore, #tpu.memory_space<semaphore_mem>>
      %dma_start3A_165 = tpu.memref_squeeze %dma_start3A_164 : memref<1x!tpu.dma_semaphore, #tpu.memory_space<semaphore_mem>> -> memref<!tpu.dma_semaphore, #tpu.memory_space<semaphore_mem>>
      %dma_start3A_166 = tpu.memref_slice %arg2[%add3A_161] : memref<20971520xf32, #tpu.memory_space<hbm>> -> memref<32768xf32, #tpu.memory_space<hbm>>
      tpu.enqueue_dma source(%dma_start3A_166 : memref<32768xf32, #tpu.memory_space<hbm>>) target(%arg5 : memref<32768xf32, #tpu.memory_space<vmem>>) target_semaphore(%dma_start3A_165 : memref<!tpu.dma_semaphore, #tpu.memory_space<semaphore_mem>>)
      %mul3A_167 = arith.constant 3 : i32
      %mul3A_168 = arith.muli %scan3A_90, %mul3A_167 : i32
      %add3A_169 = arith.constant 2 : i32
      %add3A_170 = arith.addi %mul3A_168, %add3A_169 : i32
      %mul3A_171 = arith.constant 32768 : i32
      %mul3A_172 = arith.muli %add3A_170, %mul3A_171 : i32
      %add3A_173 = arith.addi %mul3A_2, %mul3A_172 : i32
      %dma_wait3A_174 = arith.constant 2 : i32
      %dma_wait3A_175 = tpu.memref_slice %arg2[%add3A_173] : memref<20971520xf32, #tpu.memory_space<hbm>> -> memref<32768xf32, #tpu.memory_space<hbm>>
      %dma_wait3A_176 = tpu.memref_slice %arg7[%dma_wait3A_174] : memref<3x!tpu.dma_semaphore, #tpu.memory_space<semaphore_mem>> -> memref<1x!tpu.dma_semaphore, #tpu.memory_space<semaphore_mem>>
      %dma_wait3A_177 = tpu.memref_squeeze %dma_wait3A_176 : memref<1x!tpu.dma_semaphore, #tpu.memory_space<semaphore_mem>> -> memref<!tpu.dma_semaphore, #tpu.memory_space<semaphore_mem>>
      %dma_wait3A_178 = tpu.memref_slice %arg2[%add3A_173] : memref<20971520xf32, #tpu.memory_space<hbm>> -> memref<32768xf32, #tpu.memory_space<hbm>>
      tpu.wait_dma2 semaphore(%dma_wait3A_177 : memref<!tpu.dma_semaphore, #tpu.memory_space<semaphore_mem>>) src(%dma_wait3A_178 : memref<32768xf32, #tpu.memory_space<hbm>>) dst(%arg6 : memref<32768xf32, #tpu.memory_space<vmem>>)
      %mul3A_179 = arith.constant 32768 : i32
      %mul3A_180 = arith.muli %add3A_170, %mul3A_179 : i32
      %add3A_181 = arith.addi %mul3A_2, %mul3A_180 : i32
      %dma_start3A_182 = arith.constant 2 : i32
      %dma_start3A_183 = tpu.memref_slice %arg3[%add3A_181] : memref<20971520xf32, #tpu.memory_space<hbm>> -> memref<32768xf32, #tpu.memory_space<hbm>>
      %dma_start3A_184 = tpu.memref_slice %arg8[%dma_start3A_182] : memref<3x!tpu.dma_semaphore, #tpu.memory_space<semaphore_mem>> -> memref<1x!tpu.dma_semaphore, #tpu.memory_space<semaphore_mem>>
      %dma_start3A_185 = tpu.memref_squeeze %dma_start3A_184 : memref<1x!tpu.dma_semaphore, #tpu.memory_space<semaphore_mem>> -> memref<!tpu.dma_semaphore, #tpu.memory_space<semaphore_mem>>
      %dma_start3A_186 = tpu.memref_slice %arg3[%add3A_181] : memref<20971520xf32, #tpu.memory_space<hbm>> -> memref<32768xf32, #tpu.memory_space<hbm>>
      tpu.enqueue_dma source(%arg6 : memref<32768xf32, #tpu.memory_space<vmem>>) target(%dma_start3A_186 : memref<32768xf32, #tpu.memory_space<hbm>>) target_semaphore(%dma_start3A_185 : memref<!tpu.dma_semaphore, #tpu.memory_space<semaphore_mem>>)
      %mul3A_187 = arith.constant 32768 : i32
      %mul3A_188 = arith.muli %add3A_170, %mul3A_187 : i32
      %add3A_189 = arith.addi %mul3A_2, %mul3A_188 : i32
      %dma_wait3A_190 = arith.constant 2 : i32
      %dma_wait3A_191 = tpu.memref_slice %arg3[%add3A_189] : memref<20971520xf32, #tpu.memory_space<hbm>> -> memref<32768xf32, #tpu.memory_space<hbm>>
      %dma_wait3A_192 = tpu.memref_slice %arg8[%dma_wait3A_190] : memref<3x!tpu.dma_semaphore, #tpu.memory_space<semaphore_mem>> -> memref<1x!tpu.dma_semaphore, #tpu.memory_space<semaphore_mem>>
      %dma_wait3A_193 = tpu.memref_squeeze %dma_wait3A_192 : memref<1x!tpu.dma_semaphore, #tpu.memory_space<semaphore_mem>> -> memref<!tpu.dma_semaphore, #tpu.memory_space<semaphore_mem>>
      %dma_wait3A_194 = tpu.memref_slice %arg3[%add3A_189] : memref<20971520xf32, #tpu.memory_space<hbm>> -> memref<32768xf32, #tpu.memory_space<hbm>>
      tpu.wait_dma2 semaphore(%dma_wait3A_193 : memref<!tpu.dma_semaphore, #tpu.memory_space<semaphore_mem>>) src(%arg6 : memref<32768xf32, #tpu.memory_space<vmem>>) dst(%dma_wait3A_194 : memref<32768xf32, #tpu.memory_space<hbm>>)
      %add3A_195 = arith.constant 3 : i32
      %add3A_196 = arith.addi %add3A_170, %add3A_195 : i32
      %mul3A_197 = arith.constant 32768 : i32
      %mul3A_198 = arith.muli %add3A_196, %mul3A_197 : i32
      %add3A_199 = arith.addi %mul3A_2, %mul3A_198 : i32
      %dma_start3A_200 = arith.constant 2 : i32
      %dma_start3A_201 = tpu.memref_slice %arg2[%add3A_199] : memref<20971520xf32, #tpu.memory_space<hbm>> -> memref<32768xf32, #tpu.memory_space<hbm>>
      %dma_start3A_202 = tpu.memref_slice %arg7[%dma_start3A_200] : memref<3x!tpu.dma_semaphore, #tpu.memory_space<semaphore_mem>> -> memref<1x!tpu.dma_semaphore, #tpu.memory_space<semaphore_mem>>
      %dma_start3A_203 = tpu.memref_squeeze %dma_start3A_202 : memref<1x!tpu.dma_semaphore, #tpu.memory_space<semaphore_mem>> -> memref<!tpu.dma_semaphore, #tpu.memory_space<semaphore_mem>>
      %dma_start3A_204 = tpu.memref_slice %arg2[%add3A_199] : memref<20971520xf32, #tpu.memory_space<hbm>> -> memref<32768xf32, #tpu.memory_space<hbm>>
      tpu.enqueue_dma source(%dma_start3A_204 : memref<32768xf32, #tpu.memory_space<hbm>>) target(%arg6 : memref<32768xf32, #tpu.memory_space<vmem>>) target_semaphore(%dma_start3A_203 : memref<!tpu.dma_semaphore, #tpu.memory_space<semaphore_mem>>)
    }
    %scan3A_27 = arith.constant 5 : i32
    %add3A_28 = arith.constant 491520 : i32
    %add3A_29 = arith.addi %mul3A_2, %add3A_28 : i32
    %dma_wait3A = arith.constant 0 : i32
    %dma_wait3A_30 = tpu.memref_slice %arg2[%add3A_29] : memref<20971520xf32, #tpu.memory_space<hbm>> -> memref<32768xf32, #tpu.memory_space<hbm>>
    %dma_wait3A_31 = tpu.memref_slice %arg7[%dma_wait3A] : memref<3x!tpu.dma_semaphore, #tpu.memory_space<semaphore_mem>> -> memref<1x!tpu.dma_semaphore, #tpu.memory_space<semaphore_mem>>
    %dma_wait3A_32 = tpu.memref_squeeze %dma_wait3A_31 : memref<1x!tpu.dma_semaphore, #tpu.memory_space<semaphore_mem>> -> memref<!tpu.dma_semaphore, #tpu.memory_space<semaphore_mem>>
    %dma_wait3A_33 = tpu.memref_slice %arg2[%add3A_29] : memref<20971520xf32, #tpu.memory_space<hbm>> -> memref<32768xf32, #tpu.memory_space<hbm>>
    tpu.wait_dma2 semaphore(%dma_wait3A_32 : memref<!tpu.dma_semaphore, #tpu.memory_space<semaphore_mem>>) src(%dma_wait3A_33 : memref<32768xf32, #tpu.memory_space<hbm>>) dst(%arg4 : memref<32768xf32, #tpu.memory_space<vmem>>)
    %add3A_34 = arith.constant 491520 : i32
    %add3A_35 = arith.addi %mul3A_2, %add3A_34 : i32
    %dma_start3A_36 = arith.constant 0 : i32
    %dma_start3A_37 = tpu.memref_slice %arg3[%add3A_35] : memref<20971520xf32, #tpu.memory_space<hbm>> -> memref<32768xf32, #tpu.memory_space<hbm>>
    %dma_start3A_38 = tpu.memref_slice %arg8[%dma_start3A_36] : memref<3x!tpu.dma_semaphore, #tpu.memory_space<semaphore_mem>> -> memref<1x!tpu.dma_semaphore, #tpu.memory_space<semaphore_mem>>
    %dma_start3A_39 = tpu.memref_squeeze %dma_start3A_38 : memref<1x!tpu.dma_semaphore, #tpu.memory_space<semaphore_mem>> -> memref<!tpu.dma_semaphore, #tpu.memory_space<semaphore_mem>>
    %dma_start3A_40 = tpu.memref_slice %arg3[%add3A_35] : memref<20971520xf32, #tpu.memory_space<hbm>> -> memref<32768xf32, #tpu.memory_space<hbm>>
    tpu.enqueue_dma source(%arg4 : memref<32768xf32, #tpu.memory_space<vmem>>) target(%dma_start3A_40 : memref<32768xf32, #tpu.memory_space<hbm>>) target_semaphore(%dma_start3A_39 : memref<!tpu.dma_semaphore, #tpu.memory_space<semaphore_mem>>)
    %add3A_41 = arith.constant 524288 : i32
    %add3A_42 = arith.addi %mul3A_2, %add3A_41 : i32
    %dma_wait3A_43 = arith.constant 1 : i32
    %dma_wait3A_44 = tpu.memref_slice %arg2[%add3A_42] : memref<20971520xf32, #tpu.memory_space<hbm>> -> memref<32768xf32, #tpu.memory_space<hbm>>
    %dma_wait3A_45 = tpu.memref_slice %arg7[%dma_wait3A_43] : memref<3x!tpu.dma_semaphore, #tpu.memory_space<semaphore_mem>> -> memref<1x!tpu.dma_semaphore, #tpu.memory_space<semaphore_mem>>
    %dma_wait3A_46 = tpu.memref_squeeze %dma_wait3A_45 : memref<1x!tpu.dma_semaphore, #tpu.memory_space<semaphore_mem>> -> memref<!tpu.dma_semaphore, #tpu.memory_space<semaphore_mem>>
    %dma_wait3A_47 = tpu.memref_slice %arg2[%add3A_42] : memref<20971520xf32, #tpu.memory_space<hbm>> -> memref<32768xf32, #tpu.memory_space<hbm>>
    tpu.wait_dma2 semaphore(%dma_wait3A_46 : memref<!tpu.dma_semaphore, #tpu.memory_space<semaphore_mem>>) src(%dma_wait3A_47 : memref<32768xf32, #tpu.memory_space<hbm>>) dst(%arg5 : memref<32768xf32, #tpu.memory_space<vmem>>)
    %add3A_48 = arith.constant 524288 : i32
    %add3A_49 = arith.addi %mul3A_2, %add3A_48 : i32
    %dma_start3A_50 = arith.constant 1 : i32
    %dma_start3A_51 = tpu.memref_slice %arg3[%add3A_49] : memref<20971520xf32, #tpu.memory_space<hbm>> -> memref<32768xf32, #tpu.memory_space<hbm>>
    %dma_start3A_52 = tpu.memref_slice %arg8[%dma_start3A_50] : memref<3x!tpu.dma_semaphore, #tpu.memory_space<semaphore_mem>> -> memref<1x!tpu.dma_semaphore, #tpu.memory_space<semaphore_mem>>
    %dma_start3A_53 = tpu.memref_squeeze %dma_start3A_52 : memref<1x!tpu.dma_semaphore, #tpu.memory_space<semaphore_mem>> -> memref<!tpu.dma_semaphore, #tpu.memory_space<semaphore_mem>>
    %dma_start3A_54 = tpu.memref_slice %arg3[%add3A_49] : memref<20971520xf32, #tpu.memory_space<hbm>> -> memref<32768xf32, #tpu.memory_space<hbm>>
    tpu.enqueue_dma source(%arg5 : memref<32768xf32, #tpu.memory_space<vmem>>) target(%dma_start3A_54 : memref<32768xf32, #tpu.memory_space<hbm>>) target_semaphore(%dma_start3A_53 : memref<!tpu.dma_semaphore, #tpu.memory_space<semaphore_mem>>)
    %add3A_55 = arith.constant 557056 : i32
    %add3A_56 = arith.addi %mul3A_2, %add3A_55 : i32
    %dma_wait3A_57 = arith.constant 2 : i32
    %dma_wait3A_58 = tpu.memref_slice %arg2[%add3A_56] : memref<20971520xf32, #tpu.memory_space<hbm>> -> memref<32768xf32, #tpu.memory_space<hbm>>
    %dma_wait3A_59 = tpu.memref_slice %arg7[%dma_wait3A_57] : memref<3x!tpu.dma_semaphore, #tpu.memory_space<semaphore_mem>> -> memref<1x!tpu.dma_semaphore, #tpu.memory_space<semaphore_mem>>
    %dma_wait3A_60 = tpu.memref_squeeze %dma_wait3A_59 : memref<1x!tpu.dma_semaphore, #tpu.memory_space<semaphore_mem>> -> memref<!tpu.dma_semaphore, #tpu.memory_space<semaphore_mem>>
    %dma_wait3A_61 = tpu.memref_slice %arg2[%add3A_56] : memref<20971520xf32, #tpu.memory_space<hbm>> -> memref<32768xf32, #tpu.memory_space<hbm>>
    tpu.wait_dma2 semaphore(%dma_wait3A_60 : memref<!tpu.dma_semaphore, #tpu.memory_space<semaphore_mem>>) src(%dma_wait3A_61 : memref<32768xf32, #tpu.memory_space<hbm>>) dst(%arg6 : memref<32768xf32, #tpu.memory_space<vmem>>)
    %add3A_62 = arith.constant 557056 : i32
    %add3A_63 = arith.addi %mul3A_2, %add3A_62 : i32
    %dma_start3A_64 = arith.constant 2 : i32
    %dma_start3A_65 = tpu.memref_slice %arg3[%add3A_63] : memref<20971520xf32, #tpu.memory_space<hbm>> -> memref<32768xf32, #tpu.memory_space<hbm>>
    %dma_start3A_66 = tpu.memref_slice %arg8[%dma_start3A_64] : memref<3x!tpu.dma_semaphore, #tpu.memory_space<semaphore_mem>> -> memref<1x!tpu.dma_semaphore, #tpu.memory_space<semaphore_mem>>
    %dma_start3A_67 = tpu.memref_squeeze %dma_start3A_66 : memref<1x!tpu.dma_semaphore, #tpu.memory_space<semaphore_mem>> -> memref<!tpu.dma_semaphore, #tpu.memory_space<semaphore_mem>>
    %dma_start3A_68 = tpu.memref_slice %arg3[%add3A_63] : memref<20971520xf32, #tpu.memory_space<hbm>> -> memref<32768xf32, #tpu.memory_space<hbm>>
    tpu.enqueue_dma source(%arg6 : memref<32768xf32, #tpu.memory_space<vmem>>) target(%dma_start3A_68 : memref<32768xf32, #tpu.memory_space<hbm>>) target_semaphore(%dma_start3A_67 : memref<!tpu.dma_semaphore, #tpu.memory_space<semaphore_mem>>)
    %add3A_69 = arith.constant 491520 : i32
    %add3A_70 = arith.addi %mul3A_2, %add3A_69 : i32
    %dma_wait3A_71 = arith.constant 0 : i32
    %dma_wait3A_72 = tpu.memref_slice %arg3[%add3A_70] : memref<20971520xf32, #tpu.memory_space<hbm>> -> memref<32768xf32, #tpu.memory_space<hbm>>
    %dma_wait3A_73 = tpu.memref_slice %arg8[%dma_wait3A_71] : memref<3x!tpu.dma_semaphore, #tpu.memory_space<semaphore_mem>> -> memref<1x!tpu.dma_semaphore, #tpu.memory_space<semaphore_mem>>
    %dma_wait3A_74 = tpu.memref_squeeze %dma_wait3A_73 : memref<1x!tpu.dma_semaphore, #tpu.memory_space<semaphore_mem>> -> memref<!tpu.dma_semaphore, #tpu.memory_space<semaphore_mem>>
    %dma_wait3A_75 = tpu.memref_slice %arg3[%add3A_70] : memref<20971520xf32, #tpu.memory_space<hbm>> -> memref<32768xf32, #tpu.memory_space<hbm>>
    tpu.wait_dma2 semaphore(%dma_wait3A_74 : memref<!tpu.dma_semaphore, #tpu.memory_space<semaphore_mem>>) src(%arg4 : memref<32768xf32, #tpu.memory_space<vmem>>) dst(%dma_wait3A_75 : memref<32768xf32, #tpu.memory_space<hbm>>)
    %add3A_76 = arith.constant 524288 : i32
    %add3A_77 = arith.addi %mul3A_2, %add3A_76 : i32
    %dma_wait3A_78 = arith.constant 1 : i32
    %dma_wait3A_79 = tpu.memref_slice %arg3[%add3A_77] : memref<20971520xf32, #tpu.memory_space<hbm>> -> memref<32768xf32, #tpu.memory_space<hbm>>
    %dma_wait3A_80 = tpu.memref_slice %arg8[%dma_wait3A_78] : memref<3x!tpu.dma_semaphore, #tpu.memory_space<semaphore_mem>> -> memref<1x!tpu.dma_semaphore, #tpu.memory_space<semaphore_mem>>
    %dma_wait3A_81 = tpu.memref_squeeze %dma_wait3A_80 : memref<1x!tpu.dma_semaphore, #tpu.memory_space<semaphore_mem>> -> memref<!tpu.dma_semaphore, #tpu.memory_space<semaphore_mem>>
    %dma_wait3A_82 = tpu.memref_slice %arg3[%add3A_77] : memref<20971520xf32, #tpu.memory_space<hbm>> -> memref<32768xf32, #tpu.memory_space<hbm>>
    tpu.wait_dma2 semaphore(%dma_wait3A_81 : memref<!tpu.dma_semaphore, #tpu.memory_space<semaphore_mem>>) src(%arg5 : memref<32768xf32, #tpu.memory_space<vmem>>) dst(%dma_wait3A_82 : memref<32768xf32, #tpu.memory_space<hbm>>)
    %add3A_83 = arith.constant 557056 : i32
    %add3A_84 = arith.addi %mul3A_2, %add3A_83 : i32
    %dma_wait3A_85 = arith.constant 2 : i32
    %dma_wait3A_86 = tpu.memref_slice %arg3[%add3A_84] : memref<20971520xf32, #tpu.memory_space<hbm>> -> memref<32768xf32, #tpu.memory_space<hbm>>
    %dma_wait3A_87 = tpu.memref_slice %arg8[%dma_wait3A_85] : memref<3x!tpu.dma_semaphore, #tpu.memory_space<semaphore_mem>> -> memref<1x!tpu.dma_semaphore, #tpu.memory_space<semaphore_mem>>
    %dma_wait3A_88 = tpu.memref_squeeze %dma_wait3A_87 : memref<1x!tpu.dma_semaphore, #tpu.memory_space<semaphore_mem>> -> memref<!tpu.dma_semaphore, #tpu.memory_space<semaphore_mem>>
    %dma_wait3A_89 = tpu.memref_slice %arg3[%add3A_84] : memref<20971520xf32, #tpu.memory_space<hbm>> -> memref<32768xf32, #tpu.memory_space<hbm>>
    tpu.wait_dma2 semaphore(%dma_wait3A_88 : memref<!tpu.dma_semaphore, #tpu.memory_space<semaphore_mem>>) src(%arg6 : memref<32768xf32, #tpu.memory_space<vmem>>) dst(%dma_wait3A_89 : memref<32768xf32, #tpu.memory_space<hbm>>)
    return
  }
}

module attributes {stable_mosaic.version = 14 : i64} {
  func.func @_tc_copy_kernel(%arg0: i32, %arg1: memref<4096x512xf32, #tpu.memory_space<vmem>>, %arg2: memref<4096x512xf32, #tpu.memory_space<vmem>>) attributes {dimension_semantics = [#tpu.dimension_semantics<parallel>], iteration_bounds = array<i64: 38>, scalar_prefetch = 0 : i64, scratch_operands = 0 : i64, tpu.core_type = #tpu.core_type<tc>, window_params = [{transform_indices = @transform_0, window_bounds = array<i64: 4096, 512>}, {transform_indices = @transform_1, window_bounds = array<i64: 4096, 512>}]} {
    %get3A = arith.constant 0 : index
    %get3A_0 = arith.constant 0 : index
    %get3A_1 = vector.load %arg1[%get3A, %get3A_0] : memref<4096x512xf32, #tpu.memory_space<vmem>>, vector<4096x512xf32>
    %swap3A = arith.constant 0 : index
    %swap3A_2 = arith.constant 0 : index
    %swap3A_3 = vector.load %arg2[%swap3A, %swap3A_2] : memref<4096x512xf32, #tpu.memory_space<vmem>>, vector<4096x512xf32>
    tpu.vector_store %arg2[%swap3A, %swap3A_2], %get3A_1 {strides = array<i32>} : memref<4096x512xf32, #tpu.memory_space<vmem>>, vector<4096x512xf32>,
    return
  }
  func.func @transform_0(%arg0: i32) -> (i32, i32) {
    %c0_i32 = arith.constant 0 : i32
    %c0_i32_0 = arith.constant 0 : i32
    return %arg0, %c0_i32 : i32, i32
  }
  func.func @transform_1(%arg0: i32) -> (i32, i32) {
    %c0_i32 = arith.constant 0 : i32
    %c0_i32_0 = arith.constant 0 : i32
    return %arg0, %c0_i32 : i32, i32
  }
}

</mosaic_0001>

<sc_bundles>
// kernel: kernel.4.cloned.1.call-start
scs
__scs_entry_jumppad:
0x0: {  	(pc) =	sbr.rel $0x88, $3  }
0x1: {  	(tag) =	ssettag $0x0;
	lr =	simm.s32 $0x1  }
0x2: {  	[smem:$0x3FA0] =	sst lr;
	_ =	strace $0xD0000000  }
0x3: {  	_ = 	snop  }
0x4: {  	_ = 	snop  }
0x5: {  	_ = 	snop  }
0x6: {  	_ = 	snop  }
0x7: {  	_ = 	snop  }
__scs_overlays_trampoline_lowered:
0x8: {  	[smem:$0x3FAF] =	sst s0  }
0x9: {  	[smem:$0x3FB0] =	sst s1  }
0xa: {  	[smem:$0x3FB1] =	sst s2  }
0xb: {  	[smem:$0x3FB2] =	sst s3  }
0xc: {  	[smem:$0x3FB3] =	sst s4  }
0xd: {  	[smem:$0x3FB4] =	sst s5  }
0xe: {  	[smem:$0x3FB5] =	sst s6  }
0xf: {  	[smem:$0x3FB6] =	sst s7  }
0x10: {  	[smem:$0x3FB7] =	sst s8  }
0x11: {  	[smem:$0x3FB8] =	sst s9;
	s0 =	simm.s32 @!p0 $0x0  }
0x12: {  	s1 =	sld [smem:$0x3F9E];
	s0 =	simm.s32 @p0 $0x1  }
0x13: {  	[smem:$0x3FB9] =	sst s0;
	s0 =	simm.s32 @!p1 $0x0  }
0x14: {  	s2 =	sld [smem:$0x3F9D];
	s0 =	simm.s32 @p1 $0x1  }
0x15: {  	[smem:$0x3FBA] =	sst s0;
	s0 =	simm.s32 @!p2 $0x0  }
0x16: {  	s3 =	sld [smem:$0x3FDB];
	s0 =	simm.s32 @p2 $0x1  }
0x17: {  	s4 =	simm.s32 $0x1BF5;
	[smem:$0x3FBC] =	sst s0  }
0x18: {  	s0 =	sld [smem:$0x3F9F];
	_ =	swait.ge [sflag:s4], $0x0  }
0x19: {  	s7 =	sld [smem:$0x3FA0]  }
0x1a: {  	s8 =	sadd.s32 $0xFFFFE003, lr  }
0x1b: {  	s9 =	sadd.s32 $0xFFFFFEF7, lr;
	s5 =	simm.s32 $0xFFFFFFFF;
	p2 =	slt.u32 s8, $0xFFFFF086  }
0x1c: {  	p1 =	slt.u32 s9, $0xF7A;
	s5 =	simm.s32 @!p2 $0x0  }
0x1d: {  	s5 =	simm.s32 @p1 $0x1;
	p0 =	seq.s32 s7, s2  }
0x1e: {  	s7 =	smul.u32 @!p0 $0xF7A, s2;
	p2 =	seq.s32 @!p0 s5, $0x0  }
0x1f: {  	s9 =	smul.u32 $0xF7A, s1;
	s8 =	simm.s32 @!p0 $0x1BF5;
	p2 =	por !p2, p0  }
0x20: {  	[sflag:s8] =	ssyncset.s32 @!p0 $0xFFFFF086;
	s6 =	sadd.s32 @!p0 s3, s7;
	s7 =	simm.s32 @!p0 $0x108  }
0x21: {  	s3 =	sadd.s32 s3, s9;
	s6 =	sadd.s32 @!p0 $0x88, s6;
	s7 =	simm.s32 @p2 $0x1082  }
0x22: {  	[simem:s7], [sflag:s8] =	dma.local @!p0 [hbm:s6], $0xF7A  }
0x23: {  	s9 =	sor.u32 $0xD0000000, s2;
	s6 =	simm.s32 $0x108;
	_ =	swait.ge @!p0 [sflag:s8], $0x0  }
0x24: {  	s3 =	sadd.s32 $0x88, s3;
	s6 =	simm.s32 @!p1 $0x1082;
	[sflag:s4] =	ssyncset.s32 $0xFFFFF086  }
0x25: {  	[simem:s6], [sflag:s4] =	dma.local [hbm:s3], $0xF7A  }
0x26: {  	[smem:$0x3FA0] =	sst s1;
	(tag) =	ssettag s2;
	_ =	strace s9  }
0x27: {  	s1 =	sld [smem:$0x3FB0]  }
0x28: {  	s2 =	sld [smem:$0x3FB1]  }
0x29: {  	s4 =	sld [smem:$0x3FB3]  }
0x2a: {  	p0 =	seq.s32 s5, $0x0;
	s5 =	sld [smem:$0x3FB4]  }
0x2b: {  	s6 =	sld [smem:$0x3FB5]  }
0x2c: {  	s7 =	sld [smem:$0x3FB6]  }
0x2d: {  	s3 =	simm.s32 $0x108;
	s8 =	sld [smem:$0x3FB7]  }
0x2e: {  	s3 =	simm.s32 @!p0 $0x1082;
	s9 =	sld [smem:$0x3FB8]  }
0x2f: {  	lr =	sadd.s32 s0, s3;
	s0 =	sld [smem:$0x3FAF]  }
0x30: {  	s3 =	sld [smem:$0x3FB2]  }
0x31: {  	[smem:$0x3FBB] =	sst s10  }
0x32: {  	s10 =	sld [smem:$0x3FB9];
	_ =	sdelay $0x3  }
0x33: {  	p0 =	seq.s32 s10, $0x1;
	s10 =	sld [smem:$0x3FBB];
	_ =	sdelay $0x3  }
0x34: {  	[smem:$0x3FBB] =	sst s10  }
0x35: {  	s10 =	sld [smem:$0x3FBA];
	_ =	sdelay $0x3  }
0x36: {  	p1 =	seq.s32 s10, $0x1;
	s10 =	sld [smem:$0x3FBB];
	_ =	sdelay $0x3  }
0x37: {  	[smem:$0x3FBB] =	sst s10  }
0x38: {  	s10 =	sld [smem:$0x3FBC]  }
0x39: {  	_ = 	snop;
	(pc) =	sbr.ind lr, $3  }
0x3a: {  	_ = 	snop  }
0x3b: {  	_ = 	snop  }
0x3c: {  	p2 =	seq.s32 s10, $0x1;
	s10 =	sld [smem:$0x3FBB]  }
0x3d: {  	_ =	shalt  }
0x3e: {  	_ =	shalt  }
0x3f: {  	_ =	shalt  }
0x40: {  	_ =	shalt  }
0x41: {  	_ =	shalt  }
0x42: {  	_ =	shalt  }
0x43: {  	_ =	shalt  }
0x44: {  	_ =	shalt  }
0x45: {  	_ =	shalt  }
0x46: {  	_ =	shalt  }
0x47: {  	_ =	shalt  }
0x48: {  	_ =	shalt  }
0x49: {  	_ =	shalt  }
0x4a: {  	_ =	shalt  }
0x4b: {  	_ =	shalt  }
0x4c: {  	_ =	shalt  }
0x4d: {  	_ =	shalt  }
0x4e: {  	_ =	shalt  }
0x4f: {  	_ =	shalt  }
0x50: {  	_ =	shalt  }
0x51: {  	_ =	shalt  }
0x52: {  	_ =	shalt  }
0x53: {  	_ =	shalt  }
0x54: {  	_ =	shalt  }
0x55: {  	_ =	shalt  }
0x56: {  	_ =	shalt  }
0x57: {  	_ =	shalt  }
0x58: {  	_ =	shalt  }
0x59: {  	_ =	shalt  }
0x5a: {  	_ =	shalt  }
0x5b: {  	_ =	shalt  }
0x5c: {  	_ =	shalt  }
0x5d: {  	_ =	shalt  }
0x5e: {  	_ =	shalt  }
0x5f: {  	_ =	shalt  }
0x60: {  	_ =	shalt  }
0x61: {  	_ =	shalt  }
0x62: {  	_ =	shalt  }
0x63: {  	_ =	shalt  }
0x64: {  	_ =	shalt  }
0x65: {  	_ =	shalt  }
0x66: {  	_ =	shalt  }
0x67: {  	_ =	shalt  }
0x68: {  	_ =	shalt  }
0x69: {  	_ =	shalt  }
0x6a: {  	_ =	shalt  }
0x6b: {  	_ =	shalt  }
0x6c: {  	_ =	shalt  }
0x6d: {  	_ =	shalt  }
0x6e: {  	_ =	shalt  }
0x6f: {  	_ =	shalt  }
0x70: {  	_ =	shalt  }
0x71: {  	_ =	shalt  }
0x72: {  	_ =	shalt  }
0x73: {  	_ =	shalt  }
0x74: {  	_ =	shalt  }
0x75: {  	_ =	shalt  }
0x76: {  	_ =	shalt  }
0x77: {  	_ =	shalt  }
0x78: {  	_ =	shalt  }
0x79: {  	_ =	shalt  }
0x7a: {  	_ =	shalt  }
0x7b: {  	_ =	shalt  }
0x7c: {  	_ =	shalt  }
0x7d: {  	_ =	shalt  }
0x7e: {  	_ =	shalt  }
0x7f: {  	_ =	shalt  }
0x80: {  	_ =	shalt  }
0x81: {  	_ =	shalt  }
0x82: {  	_ =	shalt  }
0x83: {  	_ =	shalt  }
0x84: {  	_ =	shalt  }
0x85: {  	_ =	shalt  }
0x86: {  	_ =	shalt  }
0x87: {  	_ =	shalt  }
.Lfunc_end0:
.L_simem_size_0:
called_computation.1_lowered:
.L_overlay_start_0:
0x88: {  	s2 =	sld [smem:$0x3FD9]  }
0x89: {  	s3 =	sld [smem:$0x3FFE];
	_ =	sdelay $0x1  }
0x8a: {  	s1 =	srdreg.scid  }
0x8b: {  	s0 =	sand.u32 $0x1, s1  }
0x8c: {  	s16 =	sshll.u32 s0, $0xA;
	s2 =	sadd.s32 s3, s2  }
0x8d: {  	s2 =	sadd.s32 s2, s16  }
0x8e: {  	[smem:$0x3FC7] =	sst s2  }
0x8f: {  	_ = 	snop  }
0x90: {  	(tm) =	ssettm $0x1  }
0x91: {  	s17 =	sld [smem:$0x3FFB];
	_ =	sdelay $0x3  }
0x92: {  	_ =	strace s17  }
0x93: {  	s2 =	sld [smem:$0x3FFC];
	_ =	sdelay $0x3  }
0x94: {  	_ =	strace s2  }
0x95: {  	s2 =	sld [smem:$0x3FFD];
	_ =	sdelay $0x3  }
0x96: {  	_ =	strace s2  }
0x97: {  	_ =	strace $0x8FFFFFFF  }
0x98: {  	s18 =	sld [smem:$0x3FDB];
	_ =	sdelay $0x1  }
0x99: {  	s19 =	simm.s32 $_scs_section_size  }
0x9a: {  	s4 =	simm.s32 $_size__tile_overlayer_lowered;
	s5 =	simm.s32 $_tile_overlayer_lowered  }
0x9b: {  	s22 =	simm.s32 $0x1BFF;
	s21 =	sshll.u32 s5, $0x1;
	s2 =	sadd.s32 s19, s18  }
0x9c: {  	s6 =	simm.s32 $0x0;
	s20 =	sshll.u32 s4, $0x1;
	s4 =	sadd.s32 s21, s2  }
0x9d: {  	[timem:s6], [sflag:s22] =	dma.local [hbm:s4], s20  }
0x9e: {  	_ =	swait.ge [sflag:s22], s20  }
0x9f: {  	s3 =	ssub.s32 $0x0, s20;
	[sflag:s22] =	ssyncset.done $0x0  }
0xa0: {  	[sflag:s22] =	ssyncadd.s32 s3;
	_ =	sdelay $0x1  }
0xa1: {  	s23 =	simm.s32 $0x1B8B  }
0xa2: {  	_ =	swait.ge [sflag:s23], $0x1  }
0xa3: {  	[sflag:s23] =	ssyncset.done $0x0  }
0xa4: {  	s25 =	simm.s32 $0x1B8E;
	s24 =	sld [smem:$0x3FFE];
	[sflag:s23] =	ssyncadd.s32 $0xFFFFFFFF  }
0xa5: {  	s26 =	simm.s32 $execute0_lowered;
	[smem:$0x3FD2] =	sst s25  }
0xa6: {  	s4 =	sshll.u32 s26, $0x1;
	_ =	strace $0x80000049;
	[dreg:$0x1] =	wrdreg $0xFFFFFFFF  }
0xa7: {  	s28 =	simm.s32 $_size_execute0_lowered;
	s2 =	sadd.s32 s2, s4;
	[dreg:$0x0] =	wrdreg $0x0  }
0xa8: {  	s4 =	sshll.u32 s28, $0x1;
	[dreg:$0x2] =	wrdreg s2  }
0xa9: {  	[dreg:$0x3] =	wrdreg s4  }
0xaa: {  	[dreg:$0x4] =	wrdreg $0xC0  }
0xab: {  	_ =	task [dreg:s6], $0x5FFFF  }
0xac: {  	[dreg:$0x1] =	wrdreg $0xFFFFFFFF  }
0xad: {  	[dreg:$0x0] =	wrdreg $0x60  }
0xae: {  	[dreg:$0x2] =	wrdreg s24  }
0xaf: {  	[dreg:$0x3] =	wrdreg $0x9  }
0xb0: {  	_ =	task.clear_ibuf [dreg:s6], $0x4FFFF;
	_ =	strace $0x90000049  }
0xb1: {  	s29 =	simm.s32 $0x9;
	_ =	strace $0x8000004B  }
0xb2: {  	_ =	swait.ge [sflag:s29], $0x1  }
0xb3: {  	[sflag:s29] =	ssyncadd.s32 $0xFFFFFFFF  }
0xb4: {  	_ =	strace $0x9000004B  }
0xb5: {  	_ =	sfence  }
0xb6: {  	s30 =	sld [smem:$0x0];
	_ =	sdelay $0x2  }
0xb7: {  	s31 =	sshll.u32 s1, $0xD;
	s1 =	sshrl.u32 s1, $0x2  }
0xb8: {  	s3 =	sand.u32 $0x4000, s31;
	s1 =	sadd.s32 s1, s30  }
0xb9: {  	s0 =	sor.u32 s3, s0;
	s1 =	sshll.u32 s1, $0x11  }
0xba: {  	s0 =	sor.u32 s1, s0  }
0xbb: {  	s0 =	sadd.s32 $0x8F2B, s0  }
0xbc: {  	[sflag:s0] =	ssyncadd.remote.s32 $0x1  }
0xbd: {  	_ =	sfence.sel $0xFFFF  }
0xbe: {  	[dreg:$0x0] =	wrdreg $0xFFFFFFFF;
	(pc) =	sbr.abs _section_cstart, $3  }
0xbf: {  	[dreg:$0x1] =	wrdreg $0xFFFFFFFF  }
0xc0: {  	_ =	task.clear_ibuf [dreg:s6], $0x2FFFF;
	_ =	strace $0x9FFFFFFF  }
0xc1: {  	(tm) =	ssettm $0x7FFFFFFF  }
tec
execute0_lowered:
.L_overlay_start_1:
0x0: {  	(tag) =	ssettag $0x1  }
0x1: {  	s3 =	rddreg [dreg:$0x0]  }
0x2: {  	s0 =	rddreg [dreg:$0x1];
	s4 =	srdreg.scid  }
0x3: {  	s1 =	stileid.u32;
	s2 =	simm.s32 $0x0;
	s19 =	simm.s32 $0x4  }
0x4: {  	s20 =	simm.s32 $0x2;
	s21 =	simm.s32 $0x5;
	s22 =	simm.s32 $0x3  }
0x5: {  	s23 =	simm.s32 $0x6;
	s24 =	simm.s32 $0x0;
	s4 =	sand.u32 $0x1, s4  }
0x6: {  	s5 =	sshll.u32 s1, $0x1;
	[smem:$0x7FF] =	sst s2;
	s10 =	smul.u32 $0x140000, s1  }
0x7: {  	s5 =	sor.u32 s4, s5;
	s6 =	ssub.s32 $0x2, s4;
	s11 =	smul.u32 $0xA0000, s4  }
0x8: {  	s14 =	sadd.s32 $0x800, s3;
	s5 =	smul.u32 $0xA0000, s5;
	s31 =	sshrl.u32 s6, $0x1  }
0x9: {  	s15 =	sadd.s32 $0x280800, s3;
	_ =	strace $0x8000004A;
	s9 =	ssub.s32 s6, s31  }
0xa: {  	s13 =	sadd.s32 s11, s10;
	s5 =	sshrl.u32 s5, $0x3;
	s9 =	smax.u32 s9, $0x1  }
0xb: {  	s10 =	sadd.s32 $0x28000, s13;
	s11 =	sor.u32 $0x10000, s13;
	s12 =	sadd.s32 $0x20000, s13  }
0xc: {  	s16 =	sor.u32 $0x8000, s13;
	s17 =	sor.u32 $0x18000, s13;
	s18 =	sshrl.u32 s13, $0x3  }
0xd: {  	s3 =	sadd.s32 s14, s5;
	s8 =	sadd.s32 s15, s5;
	s10 =	sshrl.u32 s10, $0x3  }
0xe: {  	s11 =	sshrl.u32 s11, $0x3;
	s12 =	sshrl.u32 s12, $0x3;
	s16 =	sshrl.u32 s16, $0x3  }
0xf: {  	s17 =	sshrl.u32 s17, $0x3;
	s4 =	sadd.s32 $0x1000, s3;
	s5 =	sadd.s32 $0x2000, s3  }
0x10: {  	s6 =	sadd.s32 $0xF000, s8;
	s7 =	sadd.s32 $0x10000, s8;
	s8 =	sadd.s32 $0x11000, s8  }
0x11: {  	s10 =	sadd.s32 s10, s14;
	s11 =	sadd.s32 s11, s15;
	s12 =	sadd.s32 s12, s14  }
0x12: {  	s13 =	sadd.s32 s16, s15;
	s14 =	sadd.s32 s17, s14;
	s15 =	sadd.s32 s18, s15  }
0x13: {  	s16 =	simm.s32 $0x8000;
	s17 =	simm.s32 $0x10000;
	s18 =	simm.s32 $0x1  }
.LBB2_1:
0x14: {  	[tilespmem:s2], [sflag:$0x1] =	stream.linear.gather [hbm4b:s3+s2], $0x8000, $0x38;
	[tilespmem:$0x18000] =	vst v63  }
0x15: {  	_ = 	snop  }
0x16: {  	[tilespmem:s16], [sflag:$0x2] =	stream.linear.gather [hbm4b:s4+s2], $0x8000, $0x38;
	[tilespmem:$0x18000] =	vst v63  }
0x17: {  	_ = 	snop  }
0x18: {  	[tilespmem:s17], [sflag:$0x3] =	stream.linear.gather [hbm4b:s5+s2], $0x8000, $0x38;
	[tilespmem:$0x18000] =	vst v63  }
0x19: {  	_ =	swait.ge [sflag:s18], $0x8000  }
0x1a: {  	[sflag:s18] =	ssyncset.done $0x0  }
0x1b: {  	s25 =	sadd.s32 $0x0, s15;
	[sflag:s18] =	ssyncadd.s32 $0xFFFF8000  }
0x1c: {  	[hbm4b:s25+s2] =	stream.linear.scatter [tilespmem:s2], [sflag:$0x4], $0x8000, $0x38;
	[tilespmem:$0x18000] =	vst v63  }
0x1d: {  	_ =	swait.ge [sflag:s19], $0x8000  }
0x1e: {  	[sflag:s19] =	ssyncset.done $0x0  }
0x1f: {  	s28 =	sadd.s32 $0x0, s14;
	[sflag:s19] =	ssyncadd.s32 $0xFFFF8000  }
0x20: {  	[tilespmem:s2], [sflag:$0x1] =	stream.linear.gather [hbm4b:s28+s2], $0x8000, $0x38;
	[tilespmem:$0x18000] =	vst v63  }
0x21: {  	_ =	swait.ge [sflag:s20], $0x8000  }
0x22: {  	[sflag:s20] =	ssyncset.done $0x0  }
0x23: {  	s29 =	sadd.s32 $0x0, s13;
	[sflag:s20] =	ssyncadd.s32 $0xFFFF8000  }
0x24: {  	[hbm4b:s29+s2] =	stream.linear.scatter [tilespmem:s16], [sflag:$0x5], $0x8000, $0x38;
	[tilespmem:$0x18000] =	vst v63  }
0x25: {  	_ =	swait.ge [sflag:s21], $0x8000  }
0x26: {  	[sflag:s21] =	ssyncset.done $0x0  }
0x27: {  	s30 =	sadd.s32 $0x0, s12;
	[sflag:s21] =	ssyncadd.s32 $0xFFFF8000  }
0x28: {  	[tilespmem:s16], [sflag:$0x2] =	stream.linear.gather [hbm4b:s30+s2], $0x8000, $0x38;
	[tilespmem:$0x18000] =	vst v63  }
0x29: {  	_ =	swait.ge [sflag:s22], $0x8000  }
0x2a: {  	[sflag:s22] =	ssyncset.done $0x0  }
0x2b: {  	s31 =	sadd.s32 $0x0, s11;
	[sflag:s22] =	ssyncadd.s32 $0xFFFF8000  }
0x2c: {  	[hbm4b:s31+s2] =	stream.linear.scatter [tilespmem:s17], [sflag:$0x6], $0x8000, $0x38;
	[tilespmem:$0x18000] =	vst v63  }
0x2d: {  	_ =	swait.ge [sflag:s23], $0x8000  }
0x2e: {  	[sflag:s23] =	ssyncset.done $0x0  }
0x2f: {  	s26 =	sadd.s32 $0x0, s10;
	s25 =	simm.s32 $0x3000;
	[sflag:s23] =	ssyncadd.s32 $0xFFFF8000  }
.LBB2_2:
0x30: {  	[tilespmem:s17], [sflag:$0x3] =	stream.linear.gather [hbm4b:s26+s2], $0x8000, $0x38;
	[tilespmem:$0x18000] =	vst v63  }
0x31: {  	s26 =	smov.u32 s25  }
0x32: {  	p0 =	sne.s32 s25, $0xC000;
	s25 =	sadd.s32 $0x3000, s25;
	_ =	swait.ge [sflag:s18], $0x8000  }
0x33: {  	[sflag:s18] =	ssyncset.done $0x0  }
0x34: {  	s28 =	sadd.s32 s26, s15;
	[sflag:s18] =	ssyncadd.s32 $0xFFFF8000  }
0x35: {  	[hbm4b:s28+s2] =	stream.linear.scatter [tilespmem:s2], [sflag:$0x4], $0x8000, $0x38;
	[tilespmem:$0x18000] =	vst v63  }
0x36: {  	_ =	swait.ge [sflag:s19], $0x8000  }
0x37: {  	[sflag:s19] =	ssyncset.done $0x0  }
0x38: {  	s28 =	sadd.s32 s26, s14;
	[sflag:s19] =	ssyncadd.s32 $0xFFFF8000  }
0x39: {  	[tilespmem:s2], [sflag:$0x1] =	stream.linear.gather [hbm4b:s28+s2], $0x8000, $0x38;
	[tilespmem:$0x18000] =	vst v63  }
0x3a: {  	_ =	swait.ge [sflag:s20], $0x8000  }
0x3b: {  	[sflag:s20] =	ssyncset.done $0x0  }
0x3c: {  	s28 =	sadd.s32 s26, s13;
	[sflag:s20] =	ssyncadd.s32 $0xFFFF8000  }
0x3d: {  	[hbm4b:s28+s2] =	stream.linear.scatter [tilespmem:s16], [sflag:$0x5], $0x8000, $0x38;
	[tilespmem:$0x18000] =	vst v63  }
0x3e: {  	_ =	swait.ge [sflag:s21], $0x8000  }
0x3f: {  	[sflag:s21] =	ssyncset.done $0x0  }
0x40: {  	s28 =	sadd.s32 s26, s12;
	[sflag:s21] =	ssyncadd.s32 $0xFFFF8000  }
0x41: {  	[tilespmem:s16], [sflag:$0x2] =	stream.linear.gather [hbm4b:s28+s2], $0x8000, $0x38;
	[tilespmem:$0x18000] =	vst v63  }
0x42: {  	_ =	swait.ge [sflag:s22], $0x8000  }
0x43: {  	[sflag:s22] =	ssyncset.done $0x0  }
.Ltmp0:
0x44: {  	s28 =	sadd.s32 s26, s11;
	[sflag:s22] =	ssyncadd.s32 $0xFFFF8000;
	(pc) =	sbr.rel @p0 .LBB2_2-.Ltmp0, $4  }
0x45: {  	[hbm4b:s28+s2] =	stream.linear.scatter [tilespmem:s17], [sflag:$0x6], $0x8000, $0x38;
	[tilespmem:$0x18000] =	vst v63  }
0x46: {  	_ =	swait.ge [sflag:s23], $0x8000  }
0x47: {  	[sflag:s23] =	ssyncset.done $0x0  }
0x48: {  	s26 =	sadd.s32 s26, s10;
	[sflag:s23] =	ssyncadd.s32 $0xFFFF8000  }
0x49: {  	[tilespmem:s17], [sflag:$0x3] =	stream.linear.gather [hbm4b:s26+s2], $0x8000, $0x38;
	[tilespmem:$0x18000] =	vst v63  }
0x4a: {  	_ =	swait.ge [sflag:s18], $0x8000  }
0x4b: {  	[sflag:s18] =	ssyncset.done $0x0  }
0x4c: {  	[sflag:s18] =	ssyncadd.s32 $0xFFFF8000  }
0x4d: {  	[hbm4b:s6+s2] =	stream.linear.scatter [tilespmem:s2], [sflag:$0x4], $0x8000, $0x38;
	[tilespmem:$0x18000] =	vst v63  }
0x4e: {  	_ =	swait.ge [sflag:s20], $0x8000  }
0x4f: {  	[sflag:s20] =	ssyncset.done $0x0  }
0x50: {  	[sflag:s20] =	ssyncadd.s32 $0xFFFF8000  }
0x51: {  	[hbm4b:s7+s2] =	stream.linear.scatter [tilespmem:s16], [sflag:$0x5], $0x8000, $0x38;
	[tilespmem:$0x18000] =	vst v63  }
0x52: {  	_ =	swait.ge [sflag:s22], $0x8000  }
0x53: {  	[sflag:s22] =	ssyncset.done $0x0  }
0x54: {  	[sflag:s22] =	ssyncadd.s32 $0xFFFF8000  }
0x55: {  	[hbm4b:s8+s2] =	stream.linear.scatter [tilespmem:s17], [sflag:$0x6], $0x8000, $0x38;
	[tilespmem:$0x18000] =	vst v63  }
0x56: {  	_ =	swait.ge [sflag:s19], $0x8000  }
0x57: {  	[sflag:s19] =	ssyncset.done $0x0  }
0x58: {  	s24 =	sadd.s32 $0x1, s24;
	[sflag:s19] =	ssyncadd.s32 $0xFFFF8000  }
0x59: {  	p0 =	sne.s32 s24, s9;
	_ =	swait.ge [sflag:s21], $0x8000  }
.Ltmp1:
0x5a: {  	[sflag:s21] =	ssyncset.done $0x0;
	(pc) =	sbr.rel @p0 .LBB2_1-.Ltmp1, $4  }
0x5b: {  	[sflag:s21] =	ssyncadd.s32 $0xFFFF8000  }
0x5c: {  	_ =	swait.ge [sflag:s23], $0x8000  }
0x5d: {  	[sflag:s23] =	ssyncset.done $0x0  }
0x5e: {  	[sflag:s23] =	ssyncadd.s32 $0xFFFF8000  }
0x5f: {  	_ =	sfence.sel $0x180000  }
0x60: {  	[bflag:$0x0] =	sbarrier.arrive $0xFFFF  }
0x61: {  	p0 =	sne.s32 s1, $0x0;
	_ =	strace $0x9000004A  }
0x62: {  	s0 =	sadd.s32 @!p0 $0x100000, s0;
	[bflag:$0x2] =	sbarrier.arrive $0xFFFF  }
0x63: {  	[sflag:s0] =	ssyncadd.tile.s32 @!p0 $0x1;
	_ =	shalt  }
.Lfunc_end2:
_tile_overlayer_lowered:
.L_overlay_start_2:
0x64: {  	(tag) =	ssettag $0x2  }
0x65: {  	s0 =	rddreg [dreg:$0x0];
	s2 =	stileid.u32  }
0x66: {  	s1 =	rddreg [dreg:$0x1];
	p0 =	sne.s32 s2, $0x0  }
0x67: {  	s3 =	rddreg [dreg:$0x2];
	[bflag:$0x3] =	sbarrier.arrive $0xFFFF;
	s2 =	simm.s32 @!p0 $0x1C07  }
0x68: {  	[timem:s3], [sflag:s2] =	dma.local @!p0 [hbm:s0], s1  }
0x69: {  	s0 =	simm.s32 @!p0 $0x7  }
0x6a: {  	_ =	swait.ge @!p0 [sflag:s0], s1  }
0x6b: {  	s1 =	ssub.s32 @!p0 $0x0, s1;
	[sflag:s0] =	ssyncset.done @!p0 $0x0  }
0x6c: {  	[sflag:s0] =	ssyncadd.s32 @!p0 s1  }
0x6d: {  	[bflag:$0x3] =	sbarrier.arrive $0xFFFF  }
0x6e: {  	_ =	shalt  }

// kernel: sparse-core-data-format-call.cloned.1.call-start
scs
called_computation_lowered:
.L_overlay_start_0:
0x0: {  	s2 =	sld [smem:$0x3FD9]  }
0x1: {  	s3 =	sld [smem:$0x3FFE];
	_ =	sdelay $0x1  }
0x2: {  	s1 =	srdreg.scid  }
0x3: {  	s0 =	sand.u32 $0x1, s1  }
0x4: {  	s18 =	sshll.u32 s0, $0xA;
	s2 =	sadd.s32 s3, s2  }
0x5: {  	s2 =	sadd.s32 s2, s18  }
0x6: {  	[smem:$0x3FC7] =	sst s2  }
0x7: {  	_ = 	snop  }
0x8: {  	s2 =	sld [smem:$0x3FD0];
	(tm) =	ssettm $0x1  }
0x9: {  	s19 =	sld [smem:$0x3FFB];
	_ =	sdelay $0x3  }
0xa: {  	_ =	strace s19  }
0xb: {  	s3 =	sld [smem:$0x3FFC];
	_ =	sdelay $0x3  }
0xc: {  	_ =	strace s3  }
0xd: {  	s3 =	sld [smem:$0x3FFD];
	_ =	sdelay $0x3  }
0xe: {  	_ =	strace s3  }
0xf: {  	_ =	strace $0x8FFFFFFF  }
0x10: {  	s20 =	sld [smem:$0x3FDB];
	_ =	sdelay $0x1  }
0x11: {  	s4 =	simm.s32 $_scs_section_size  }
0x12: {  	s5 =	simm.s32 $_size__tile_overlayer_lowered;
	s6 =	simm.s32 $_tile_overlayer_lowered  }
0x13: {  	s23 =	simm.s32 $0x1BFF;
	s22 =	sshll.u32 s6, $0x1;
	s3 =	sadd.s32 s4, s20  }
0x14: {  	s7 =	simm.s32 $0x0;
	s21 =	sshll.u32 s5, $0x1;
	s5 =	sadd.s32 s22, s3  }
0x15: {  	[timem:s7], [sflag:s23] =	dma.local [hbm:s5], s21  }
0x16: {  	_ =	swait.ge [sflag:s23], s21  }
0x17: {  	s4 =	ssub.s32 $0x0, s21;
	[sflag:s23] =	ssyncset.done $0x0  }
0x18: {  	[sflag:s23] =	ssyncadd.s32 s4;
	_ =	sdelay $0x1  }
0x19: {  	s24 =	simm.s32 $0x1B8B  }
0x1a: {  	_ =	swait.ge [sflag:s24], $0x1  }
0x1b: {  	[sflag:s24] =	ssyncset.done $0x0  }
0x1c: {  	s26 =	simm.s32 $0x1B8E;
	s25 =	sld [smem:$0x3FFE];
	[sflag:s24] =	ssyncadd.s32 $0xFFFFFFFF  }
0x1d: {  	s27 =	simm.s32 $execute0_lowered;
	[smem:$0x3FD2] =	sst s26  }
0x1e: {  	s5 =	sshll.u32 s27, $0x1;
	_ =	strace $0x80000046;
	[dreg:$0x1] =	wrdreg $0xFFFFFFFF  }
0x1f: {  	s28 =	simm.s32 $_size_execute0_lowered;
	s3 =	sadd.s32 s3, s5;
	[dreg:$0x0] =	wrdreg $0x0  }
0x20: {  	s5 =	sshll.u32 s28, $0x1;
	[dreg:$0x2] =	wrdreg s3  }
0x21: {  	[dreg:$0x3] =	wrdreg s5  }
0x22: {  	[dreg:$0x4] =	wrdreg $0xC0  }
0x23: {  	_ =	task [dreg:s7], $0x5FFFF  }
0x24: {  	[dreg:$0x1] =	wrdreg $0xFFFFFFFF  }
0x25: {  	[dreg:$0x0] =	wrdreg $0x60  }
0x26: {  	[dreg:$0x2] =	wrdreg s2  }
0x27: {  	[dreg:$0x3] =	wrdreg s25  }
0x28: {  	[dreg:$0x4] =	wrdreg $0x9  }
0x29: {  	_ =	task.clear_ibuf [dreg:s7], $0x5FFFF;
	_ =	strace $0x90000046  }
0x2a: {  	s29 =	simm.s32 $0x9;
	_ =	strace $0x80000048  }
0x2b: {  	_ =	swait.ge [sflag:s29], $0x1  }
0x2c: {  	[sflag:s29] =	ssyncadd.s32 $0xFFFFFFFF  }
0x2d: {  	_ =	strace $0x90000048  }
0x2e: {  	_ =	sfence  }
0x2f: {  	s30 =	sld [smem:$0x0];
	_ =	sdelay $0x2  }
0x30: {  	s31 =	sshll.u32 s1, $0xD;
	s1 =	sshrl.u32 s1, $0x2  }
0x31: {  	s3 =	sand.u32 $0x4000, s31;
	s1 =	sadd.s32 s1, s30  }
0x32: {  	s0 =	sor.u32 s3, s0;
	s1 =	sshll.u32 s1, $0x11  }
0x33: {  	s0 =	sor.u32 s1, s0  }
0x34: {  	s0 =	sadd.s32 $0x8F2B, s0  }
0x35: {  	[sflag:s0] =	ssyncadd.remote.s32 $0x1  }
0x36: {  	_ =	sfence.sel $0xFFFF  }
0x37: {  	[dreg:$0x0] =	wrdreg $0xFFFFFFFF;
	(pc) =	sbr.abs _section_cstart, $3  }
0x38: {  	[dreg:$0x1] =	wrdreg $0xFFFFFFFF  }
0x39: {  	_ =	task.clear_ibuf [dreg:s7], $0x2FFFF;
	_ =	strace $0x9FFFFFFF  }
0x3a: {  	(tm) =	ssettm $0x7FFFFFFF  }
0x3b: {  	_ =	shalt  }
tec
execute0_lowered:
.L_overlay_start_1:
0x0: {  	(tag) =	ssettag $0x1  }
0x1: {  	s0 =	srdreg.scid  }
0x2: {  	s1 =	sshll.u32 s0, $0x4  }
0x3: {  	s2 =	rddreg [dreg:$0x0];
	s0 =	stileid.u32;
	s1 =	sand.u32 $0x10, s1  }
0x4: {  	s4 =	rddreg [dreg:$0x1];
	s7 =	simm.s32 $0x1;
	s1 =	sor.u32 s0, s1  }
0x5: {  	s8 =	simm.s32 $0x2;
	s9 =	simm.s32 $0x0;
	s3 =	sshll.u32 s1, $0x2  }
0x6: {  	s12 =	simm.s32 $0x0;
	s11 =	simm.s32 $0x0;
	s6 =	ssub.s32 $0x1400, s3  }
.Ltmp0:
0x7: {  	s4 =	sadd.s32 $0x800, s4;
	s5 =	sand.u32 $0x7C, s6;
	(pc) =	sbr.rel .LBB1_1-.Ltmp0, $4  }
0x8: {  	s1 =	rddreg [dreg:$0x2];
	_ =	strace $0x80000047;
	p0 =	sne.s32 s5, $0x0  }
0x9: {  	s6 =	sshrl.u32 s6, $0x7;
	s5 =	simm.s32 $0x1;
	s7 =	simm.s32 @!p0 $0x0  }
0xa: {  	s10 =	smov.u32 s3;
	[sflag:s5] =	ssyncpa.u1 $0x0;
	s6 =	sadd.s32 s7, s6  }
0xb: {  	[sflag:s8] =	ssyncpa.u1 $0x0;
	s8 =	simm.s32 $0x0;
	s7 =	sadd.s32 $0x1, s6  }
.LBB1_9:
0xc: {  	s14 =	sadd.s32 $0x80, s10  }
0xd: {  	p1 =	sgt.s32 s14, $0x13FF  }
0xe: {  	s14 =	smov.u32 @p1 s3;
	p1 =	sne.s32 s11, s7  }
.Ltmp1:
0xf: {  	p0 =	slt.u32 s11, $0x2;
	(pc) =	sbr.rel @!p1 .LBB1_10-.Ltmp1, $4  }
0x10: {  	s13 =	simm.s32 @!p0 $0x2  }
0x11: {  	s15 =	sadd.s32 $0x1, s11;
	_ =	swait.ge @!p0 [sflag:s13], $0x4000  }
0x12: {  	s12 =	smov.u32 s10;
	s9 =	sadd.s32 $0x4000, s9;
	[sflag:s13] =	ssyncset.done @!p0 $0x0  }
0x13: {  	s11 =	smov.u32 s15;
	s10 =	smov.u32 s14;
	[sflag:s13] =	ssyncadd.s32 @!p0 $0xFFFFC000  }
.LBB1_1:
0x14: {  	p0 =	sge.u32 s11, s6  }
0x15: {  	s13 =	sxor.u32 @!p0 $0xFFFFFFFF, s11  }
0x16: {  	s31 =	sadd.s32 $0xFFFFFFFF, s11;
	s14 =	sshll.u32 @!p0 s10, $0x9;
	s13 =	sshll.u32 @!p0 s13, $0xE  }
0x17: {  	s15 =	simm.s32 @!p0 $0x0;
	s14 =	sadd.s32 @!p0 s2, s14;
	s13 =	sand.u32 @!p0 $0x4000, s13  }
0x18: {  	[tilespmem:s13], [sflag:$0x1] =	stream.linear.gather @!p0 [hbm4b:s14+s15], $0x4000, $0x38;
	[tilespmem:$0x10000] =	vst v63  }
0x19: {  	p0 =	sge.u32 s31, s6  }
.Ltmp2:
0x1a: {  	_ = 	snop;
	(pc) =	sbr.rel @p0 .LBB1_9-.Ltmp2, $1  }
0x1b: {  	_ =	sdelay $0x3  }
0x1c: {  	s14 =	sand.u32 $0x4000, s9  }
0x1d: {  	_ =	swait.ge [sflag:s5], $0x4000;
	s15 =	sshll.u32 s11, $0xE;
	s16 =	simm.s32 $0x0  }
0x1e: {  	s13 =	sor.u32 $0x40, s14;
	[sflag:s5] =	ssyncset.done $0x0;
	s15 =	sand.u32 $0x4000, s15  }
0x1f: {  	s14 =	sor.u32 $0x8040, s14;
	[sflag:s5] =	ssyncadd.s32 $0xFFFFC000;
	s15 =	sor.u32 $0x8000, s15  }
.LBB1_3:
0x20: {  	s17 =	smov.u32 s14;
	s18 =	smov.u32 s13;
	s19 =	simm.s32 $0x0  }
.LBB1_4:
0x21: {  	v0 =	vmov s17;
	v2 =	vld [tilespmem:s18+$0x30]  }
0x22: {  	v4 =	vld [tilespmem:s18+$0xFFFFFFD0]  }
0x23: {  	v6 =	vld [tilespmem:s18+$0xFFFFFFE0]  }
0x24: {  	v7 =	vld [tilespmem:s18+$0xFFFFFFF0]  }
0x25: {  	s20 =	simm.s32 $0x0;
	v1 =	vld [tilespmem:s18+$0x0]  }
0x26: {  	v3 =	vld [tilespmem:s18+$0x10];
	[tilespmem:v0+s20+$0x30 ss:$0x1] =	vst.idx.msk $0xffff, v2  }
0x27: {  	v5 =	vld [tilespmem:s18+$0x20];
	[tilespmem:v0+s20+$0xFFFFFFD0 ss:$0x1] =	vst.idx.msk $0xffff, v4  }
0x28: {  	s21 =	sadd.s32 $0x80, s18;
	v2 =	vld [tilespmem:s18+$0xFFFFFFC0];
	[tilespmem:v0+s20+$0xFFFFFFE0 ss:$0x1] =	vst.idx.msk $0xffff, v6  }
0x29: {  	s22 =	simm.s32 $0x800;
	s23 =	simm.s32 $0x1000;
	v4 =	vld [tilespmem:s21+$0x30];
	[tilespmem:v0+s20+$0xFFFFFFF0 ss:$0x1] =	vst.idx.msk $0xffff, v7  }
.LBB1_5:
0x2a: {  	p0 =	sne.s32 s23, $0x3800;
	v6 =	vld [tilespmem:s21+$0xFFFFFFD0];
	[tilespmem:v0+s20+$0x0 ss:$0x1] =	vst.idx.msk $0xffff, v1  }
0x2b: {  	v7 =	vld [tilespmem:s21+$0xFFFFFFE0];
	[tilespmem:v0+s20+$0x10 ss:$0x1] =	vst.idx.msk $0xffff, v3  }
0x2c: {  	v8 =	vld [tilespmem:s21+$0xFFFFFFF0];
	[tilespmem:v0+s20+$0x20 ss:$0x1] =	vst.idx.msk $0xffff, v5  }
.Ltmp3:
0x2d: {  	v1 =	vld [tilespmem:s21+$0x0];
	[tilespmem:v0+s20+$0xFFFFFFC0 ss:$0x1] =	vst.idx.msk $0xffff, v2;
	s20 =	sshra.s32 s22, $0x2;
	s22 =	smov.u32 s23;
	(pc) =	sbr.rel @p0 .LBB1_5-.Ltmp3, $4  }
0x2e: {  	v3 =	vld [tilespmem:s21+$0x10];
	[tilespmem:v0+s20+$0x30 ss:$0x1] =	vst.idx.msk $0xffff, v4  }
0x2f: {  	[tilespmem:v0+s20+$0xFFFFFFD0 ss:$0x1] =	vst.idx.msk $0xffff, v6;
	v5 =	vld [tilespmem:s21+$0x20]  }
0x30: {  	v2 =	vld [tilespmem:s21+$0xFFFFFFC0];
	[tilespmem:v0+s20+$0xFFFFFFE0 ss:$0x1] =	vst.idx.msk $0xffff, v7;
	s21 =	sadd.s32 $0x80, s21  }
0x31: {  	s23 =	sadd.s32 $0x800, s23;
	v4 =	vld [tilespmem:s21+$0x30];
	[tilespmem:v0+s20+$0xFFFFFFF0 ss:$0x1] =	vst.idx.msk $0xffff, v8  }
0x32: {  	_ =	sdelay $0x3  }
0x33: {  	v6 =	vld [tilespmem:s21+$0xFFFFFFD0];
	[tilespmem:v0+s20+$0x0 ss:$0x1] =	vst.idx.msk $0xffff, v1  }
0x34: {  	v58 =	vld [tilespmem:s21+$0xFFFFFFE0];
	[tilespmem:v0+s20+$0x10 ss:$0x1] =	vst.idx.msk $0xffff, v3  }
0x35: {  	v59 =	vld [tilespmem:s21+$0xFFFFFFF0];
	[tilespmem:v0+s20+$0x20 ss:$0x1] =	vst.idx.msk $0xffff, v5  }
0x36: {  	s22 =	sshra.s32 s22, $0x2;
	v60 =	vld [tilespmem:s21+$0x0];
	[tilespmem:v0+s20+$0xFFFFFFC0 ss:$0x1] =	vst.idx.msk $0xffff, v2  }
0x37: {  	v61 =	vld [tilespmem:s21+$0x10];
	[tilespmem:v0+s22+$0x30 ss:$0x1] =	vst.idx.msk $0xffff, v4  }
0x38: {  	v62 =	vld [tilespmem:s21+$0x20];
	s19 =	sadd.s32 $0x1, s19;
	[tilespmem:v0+s22+$0xFFFFFFD0 ss:$0x1] =	vst.idx.msk $0xffff, v6  }
0x39: {  	v63 =	vld [tilespmem:s21+$0xFFFFFFC0];
	p0 =	sne.s32 s19, $0x4;
	[tilespmem:v0+s22+$0xFFFFFFE0 ss:$0x1] =	vst.idx.msk $0xffff, v58  }
.Ltmp4:
0x3a: {  	[tilespmem:v0+s22+$0xFFFFFFF0 ss:$0x1] =	vst.idx.msk $0xffff, v59;
	(pc) =	sbr.rel @p0 .LBB1_4-.Ltmp4, $4  }
0x3b: {  	[tilespmem:v0+s22+$0x0 ss:$0x1] =	vst.idx.msk $0xffff, v60  }
0x3c: {  	[tilespmem:v0+s22+$0x10 ss:$0x1] =	vst.idx.msk $0xffff, v61  }
0x3d: {  	[tilespmem:v0+s22+$0x20 ss:$0x1] =	vst.idx.msk $0xffff, v62  }
0x3e: {  	s18 =	sadd.s32 $0x400, s18;
	s17 =	sadd.s32 $0x80, s17;
	[tilespmem:v0+s22+$0xFFFFFFC0 ss:$0x1] =	vst.idx.msk $0xffff, v63  }
0x3f: {  	s16 =	sadd.s32 $0x1, s16  }
0x40: {  	p0 =	sne.s32 s16, $0x4  }
.Ltmp5:
0x41: {  	_ = 	snop;
	(pc) =	sbr.rel @p0 .LBB1_3-.Ltmp5, $2  }
0x42: {  	_ =	sdelay $0x2  }
0x43: {  	s13 =	sadd.s32 $0x1000, s13;
	s14 =	sadd.s32 $0x1000, s14  }
.Ltmp6:
0x44: {  	(pc) =	sbr.rel .LBB1_9-.Ltmp6, $4  }
0x45: {  	_ = 	snop  }
0x46: {  	s12 =	sshll.u32 s12, $0x9  }
0x47: {  	s12 =	sadd.s32 s4, s12  }
0x48: {  	[hbm4b:s12+s8] =	stream.linear.scatter [tilespmem:s15], [sflag:$0x2], $0x4000, $0x38;
	[tilespmem:$0x10000] =	vst v63  }
.LBB1_10:
0x49: {  	_ =	sfence.sel $0x180000  }
0x4a: {  	s2 =	simm.s32 $0x1;
	[bflag:$0x0] =	sbarrier.arrive $0xFFFF  }
0x4b: {  	s31 =	simm.s32 $0x2;
	[sflag:s2] =	ssyncpa.u1 $0x1  }
0x4c: {  	[sflag:s31] =	ssyncpa.u1 $0x1  }
0x4d: {  	p0 =	sne.s32 s0, $0x0;
	_ =	strace $0x90000047  }
0x4e: {  	s0 =	sadd.s32 @!p0 $0x100000, s1;
	[bflag:$0x2] =	sbarrier.arrive $0xFFFF  }
0x4f: {  	[sflag:s0] =	ssyncadd.tile.s32 @!p0 $0x1;
	_ =	shalt  }
.Lfunc_end1:
_tile_overlayer_lowered:
.L_overlay_start_2:
0x50: {  	(tag) =	ssettag $0x2  }
0x51: {  	s0 =	rddreg [dreg:$0x0];
	s2 =	stileid.u32  }
0x52: {  	s1 =	rddreg [dreg:$0x1];
	p0 =	sne.s32 s2, $0x0  }
0x53: {  	s3 =	rddreg [dreg:$0x2];
	[bflag:$0x3] =	sbarrier.arrive $0xFFFF;
	s2 =	simm.s32 @!p0 $0x1C01  }
0x54: {  	[timem:s3], [sflag:s2] =	dma.local @!p0 [hbm:s0], s1  }
0x55: {  	s0 =	simm.s32 @!p0 $0x1  }
0x56: {  	_ =	swait.ge @!p0 [sflag:s0], s1  }
0x57: {  	s1 =	ssub.s32 @!p0 $0x0, s1;
	[sflag:s0] =	ssyncset.done @!p0 $0x0  }
0x58: {  	[sflag:s0] =	ssyncadd.s32 @!p0 s1  }
0x59: {  	[bflag:$0x3] =	sbarrier.arrive $0xFFFF  }
0x5a: {  	_ =	shalt  }

</sc_bundles>
